<compile_context>
chip_gen: v7x
topology: tpu7x:2x2x1
jax: 0.10.2.dev20260603
libtpu: 0.0.44.dev20260713+nightly
codegen_flags: <defaults>
</compile_context>

<pallas_src>
import jax
import jax.numpy as jnp
from jax import lax
from jax.experimental import pallas as pl
from jax.experimental.pallas import tpu as pltpu
from jax.experimental.pallas import tpu_sc as plsc

N = 1024
C = 100000
L = 16
NS = 16
PER = N // NS


def _sc_body(probt_hbm, target_hbm, reward_hbm, out_hbm,
             tgt_v, rwd_v, win_v, part_v, acc_v, out_v, shared,
             sem_t, sem_r, sem_g):
    sid = lax.axis_index("s")
    base = sid * PER

    ct = pltpu.async_copy(target_hbm.at[pl.ds(base, PER)], tgt_v, sem_t)
    cr = pltpu.async_copy(reward_hbm.at[pl.ds(base, PER)], rwd_v, sem_r)
    ct.wait()

    c0 = pl.multiple_of((sid // 2) * 128, 128)
    off = (sid % 2) * PER
    cg = pltpu.async_copy(probt_hbm.at[tgt_v, pl.ds(c0, 2 * PER)], win_v, sem_g)
    cr.wait()
    cg.wait()

    lane = lax.iota(jnp.int32, L)
    zero = jnp.zeros((L,), jnp.float32)

    def body(r0, accs):
        j16 = (r0 // L) * L
        rv = rwd_v[pl.ds(j16, L)]
        out = []
        for u in range(4):
            r = r0 + u
            wv = win_v[r, pl.ds(off + j16, L)]
            out.append(accs[u] + jnp.where(lane == r - j16, wv * rv, 0.0))
        return tuple(out)

    a0, a1, a2, a3 = plsc.parallel_loop(
        0, PER, 4, carry=(zero, zero, zero, zero))(body)
    part_v[...] = (a0 + a1) + (a2 + a3)

    pltpu.sync_copy(part_v, shared.at[pl.ds(sid * L, L)])
    plsc.subcore_barrier()

    @pl.when(sid == 0)
    def _():
        pltpu.sync_copy(shared, acc_v)
        tot = lax.fori_loop(
            0, NS,
            lambda i, t: t + acc_v[pl.ds(i * L, L)],
            jnp.zeros((L,), jnp.float32))
        s = tot[0]
        for i in range(1, L):
            s = s + tot[i]
        out_v[...] = jnp.broadcast_to(-s, (L,))
        pltpu.sync_copy(out_v, out_hbm)


@jax.jit
def _sc_loss(probt, target, reward):
    mesh = plsc.VectorSubcoreMesh(
        core_axis_name="c", subcore_axis_name="s", num_cores=1, num_subcores=NS)
    run = pl.kernel(
        _sc_body,
        out_type=jax.ShapeDtypeStruct((L,), jnp.float32),
        mesh=mesh,
        scratch_types=[
            pltpu.VMEM((PER,), jnp.int32),
            pltpu.VMEM((PER,), jnp.float32),
            pltpu.VMEM((PER, 2 * PER), jnp.float32),
            pltpu.VMEM((L,), jnp.float32),
            pltpu.VMEM((NS * L,), jnp.float32),
            pltpu.VMEM((L,), jnp.float32),
            pltpu.VMEM_SHARED((NS * L,), jnp.float32),
            pltpu.SemaphoreType.DMA,
            pltpu.SemaphoreType.DMA,
            pltpu.SemaphoreType.DMA,
        ],
    )
    return run(probt, target, reward)


def kernel(prob, target, reward):
    out = _sc_loss(prob.T, target.astype(jnp.int32), reward)
    return out[0]

# --- scband reference (transcript-rebuilt; emitter-appended) ---
"""Pipeline reference for scband-ganloss-15736760173080 (READ-ONLY COPY).

The authoritative reference and input builder live on the scoring server;
editing this copy changes nothing except your own understanding.
"""

import jax, jax.numpy as jnp
import numpy as np

N = 1024
C = 100000

def setup_inputs(seed: int = 0) -> dict:
    key = jax.random.key(seed)
    k1, k2, k3 = jax.random.split(key, 3)
    prob = jax.random.normal(k1, (N, C), dtype=jnp.float32)
    target = jax.random.randint(k2, (N,), 0, C, dtype=jnp.int64 if jax.config.jax_enable_x64 else jnp.int32)
    reward = jax.random.uniform(k3, (N,), dtype=jnp.float32)
    return {"prob": prob, "target": target, "reward": reward}

def reference(prob, target, reward):
    # one_hot scatter + masked_select picks exactly prob[i, target[i]] in row order,
    # which is a row-wise gather.
    gathered = jnp.take_along_axis(prob, target.reshape(-1, 1).astype(jnp.int32), axis=1)[:, 0]
    loss = gathered * reward
    return -jnp.sum(loss)

if __name__ == "__main__":
    import jax
    _d = setup_inputs()
    print(jax.jit(kernel)(*tuple(_d.values())))

</pallas_src>

<mosaic_0001>
#map = affine_map<(d0, d1) -> (0, 0)>
#map1 = affine_map<(d0, d1) -> (0)>
module attributes {stable_mosaic.version = 14 : i64} {
  func.func @_sc_body(%arg0: i32, %arg1: i32, %arg2: memref<100000x1024xf32, #tpu.memory_space<hbm>>, %arg3: memref<1024xi32, #tpu.memory_space<hbm>>, %arg4: memref<1024xf32, #tpu.memory_space<hbm>>, %arg5: memref<16xf32, #tpu.memory_space<hbm>>, %arg6: memref<64xi32, #tpu.memory_space<vmem>>, %arg7: memref<64xf32, #tpu.memory_space<vmem>>, %arg8: memref<64x128xf32, #tpu.memory_space<vmem>>, %arg9: memref<16xf32, #tpu.memory_space<vmem>>, %arg10: memref<256xf32, #tpu.memory_space<vmem>>, %arg11: memref<16xf32, #tpu.memory_space<vmem>>, %arg12: memref<256xf32, #tpu.memory_space<vmem_shared>>, %arg13: memref<!tpu.dma_semaphore, #tpu.memory_space<semaphore_mem>>, %arg14: memref<!tpu.dma_semaphore, #tpu.memory_space<semaphore_mem>>, %arg15: memref<!tpu.dma_semaphore, #tpu.memory_space<semaphore_mem>>) attributes {dimension_semantics = [#tpu.dimension_semantics<core_parallel>, #tpu.dimension_semantics<subcore_parallel>], iteration_bounds = array<i64: 1, 16>, scalar_prefetch = 0 : i64, scratch_operands = 10 : i64, tpu.core_type = #tpu.core_type<sc_vector_subcore>, window_params = [{transform_indices = #map}, {transform_indices = #map1}, {transform_indices = #map1}, {transform_indices = #map1}]} {
    %mul3A = arith.constant 64 : i32
    %mul3A_0 = arith.muli %arg1, %mul3A : i32
    %dma_start3A = tpu.memref_slice %arg3[%mul3A_0] : memref<1024xi32, #tpu.memory_space<hbm>> -> memref<64xi32, #tpu.memory_space<hbm>>
    %dma_start3A_1 = tpu.memref_slice %arg3[%mul3A_0] : memref<1024xi32, #tpu.memory_space<hbm>> -> memref<64xi32, #tpu.memory_space<hbm>>
    tpu.enqueue_dma source(%dma_start3A_1 : memref<64xi32, #tpu.memory_space<hbm>>) target(%arg6 : memref<64xi32, #tpu.memory_space<vmem>>) target_semaphore(%arg13 : memref<!tpu.dma_semaphore, #tpu.memory_space<semaphore_mem>>)
    %dma_start3A_2 = tpu.memref_slice %arg4[%mul3A_0] : memref<1024xf32, #tpu.memory_space<hbm>> -> memref<64xf32, #tpu.memory_space<hbm>>
    %dma_start3A_3 = tpu.memref_slice %arg4[%mul3A_0] : memref<1024xf32, #tpu.memory_space<hbm>> -> memref<64xf32, #tpu.memory_space<hbm>>
    tpu.enqueue_dma source(%dma_start3A_3 : memref<64xf32, #tpu.memory_space<hbm>>) target(%arg7 : memref<64xf32, #tpu.memory_space<vmem>>) target_semaphore(%arg14 : memref<!tpu.dma_semaphore, #tpu.memory_space<semaphore_mem>>)
    %dma_wait3A = tpu.memref_slice %arg3[%mul3A_0] : memref<1024xi32, #tpu.memory_space<hbm>> -> memref<64xi32, #tpu.memory_space<hbm>>
    %dma_wait3A_4 = tpu.memref_slice %arg3[%mul3A_0] : memref<1024xi32, #tpu.memory_space<hbm>> -> memref<64xi32, #tpu.memory_space<hbm>>
    tpu.wait_dma2 semaphore(%arg13 : memref<!tpu.dma_semaphore, #tpu.memory_space<semaphore_mem>>) src(%dma_wait3A_4 : memref<64xi32, #tpu.memory_space<hbm>>) dst(%arg6 : memref<64xi32, #tpu.memory_space<vmem>>)
    %jit3A = arith.constant 2 : i32
    %div3A = arith.divsi %arg1, %jit3A : i32
    %sign3A = arith.constant 0 : i32
    %sign3A_5 = arith.cmpi sgt, %arg1, %sign3A : i32
    %sign3A_6 = arith.extui %sign3A_5 : i1 to i32
    %sign3A_7 = arith.constant 0 : i32
    %sign3A_8 = arith.cmpi slt, %arg1, %sign3A_7 : i32
    %sign3A_9 = arith.extui %sign3A_8 : i1 to i32
    %sign3A_10 = arith.subi %sign3A_6, %sign3A_9 : i32
    %sign3A_11 = arith.constant 0 : i32
    %sign3A_12 = arith.cmpi sgt, %jit3A, %sign3A_11 : i32
    %sign3A_13 = arith.extui %sign3A_12 : i1 to i32
    %sign3A_14 = arith.constant 0 : i32
    %sign3A_15 = arith.cmpi slt, %jit3A, %sign3A_14 : i32
    %sign3A_16 = arith.extui %sign3A_15 : i1 to i32
    %sign3A_17 = arith.subi %sign3A_13, %sign3A_16 : i32
    %ne3A = arith.cmpi ne, %sign3A_10, %sign3A_17 : i32
    %rem3A = arith.remsi %arg1, %jit3A : i32
    %ne3A_18 = arith.constant 0 : i32
    %ne3A_19 = arith.cmpi ne, %rem3A, %ne3A_18 : i32
    %and3A = arith.andi %ne3A, %ne3A_19 : i1
    %sub3A = arith.constant 1 : i32
    %sub3A_20 = arith.subi %div3A, %sub3A : i32
    %select_n3A = arith.select %and3A, %sub3A_20, %div3A : i32
    %mul3A_21 = arith.constant 128 : i32
    %mul3A_22 = arith.muli %select_n3A, %mul3A_21 : i32
    %multiple_of3A = tpu.assume_multiple %mul3A_22, 128 : i32
    %jit3A_23 = arith.constant 2 : i32
    %eq3A = arith.constant 0 : i32
    %eq3A_24 = arith.cmpi eq, %jit3A_23, %eq3A : i32
    %jit3A_25 = arith.constant 1 : i32
    %select_n3A_26 = arith.select %eq3A_24, %jit3A_25, %jit3A_23 : i32
    %rem3A_27 = arith.remsi %arg1, %select_n3A_26 : i32
    %ne3A_28 = arith.constant 0 : i32
    %ne3A_29 = arith.cmpi ne, %rem3A_27, %ne3A_28 : i32
    %lt3A = arith.constant 0 : i32
    %lt3A_30 = arith.cmpi slt, %rem3A_27, %lt3A : i32
    %lt3A_31 = arith.constant 0 : i32
    %lt3A_32 = arith.cmpi slt, %select_n3A_26, %lt3A_31 : i32
    %ne3A_33 = arith.xori %lt3A_30, %lt3A_32 : i1
    %and3A_34 = arith.andi %ne3A_33, %ne3A_29 : i1
    %add3A = arith.addi %rem3A_27, %select_n3A_26 : i32
    %select_n3A_35 = arith.select %and3A_34, %add3A, %rem3A_27 : i32
    %mul3A_36 = arith.constant 64 : i32
    %mul3A_37 = arith.muli %select_n3A_35, %mul3A_36 : i32
    %dma_start3A_38 = arith.constant 0 : i32
    %dma_start3A_39 = tpu.memref_slice %arg2[%dma_start3A_38, %multiple_of3A] : memref<100000x1024xf32, #tpu.memory_space<hbm>> -> memref<100000x128xf32, #tpu.memory_space<hbm>>
    tpu.enqueue_indirect_dma source(%dma_start3A_39 : memref<100000x128xf32, #tpu.memory_space<hbm>>) target(%arg8 : memref<64x128xf32, #tpu.memory_space<vmem>>) offsets(%arg6 : memref<64xi32, #tpu.memory_space<vmem>>) semaphore(%arg15 : memref<!tpu.dma_semaphore, #tpu.memory_space<semaphore_mem>>)
    %dma_wait3A_40 = tpu.memref_slice %arg4[%mul3A_0] : memref<1024xf32, #tpu.memory_space<hbm>> -> memref<64xf32, #tpu.memory_space<hbm>>
    %dma_wait3A_41 = tpu.memref_slice %arg4[%mul3A_0] : memref<1024xf32, #tpu.memory_space<hbm>> -> memref<64xf32, #tpu.memory_space<hbm>>
    tpu.wait_dma2 semaphore(%arg14 : memref<!tpu.dma_semaphore, #tpu.memory_space<semaphore_mem>>) src(%dma_wait3A_41 : memref<64xf32, #tpu.memory_space<hbm>>) dst(%arg7 : memref<64xf32, #tpu.memory_space<vmem>>)
    %dma_wait3A_42 = arith.constant 0 : i32
    %dma_wait3A_43 = tpu.memref_slice %arg2[%dma_wait3A_42, %multiple_of3A] : memref<100000x1024xf32, #tpu.memory_space<hbm>> -> memref<100000x128xf32, #tpu.memory_space<hbm>>
    tpu.wait_indirect_dma semaphore(%arg15 : memref<!tpu.dma_semaphore, #tpu.memory_space<semaphore_mem>>) src(%dma_wait3A_43 : memref<100000x128xf32, #tpu.memory_space<hbm>>) dst(%arg8 : memref<64x128xf32, #tpu.memory_space<vmem>>)
    %iota3A = tpu.iota {dimensions = array<i32: 0>} : vector<16xi32>
    %broadcast_in_dim3A = arith.constant 0.000000e+00 : f32
    %broadcast_in_dim3A_44 = vector.broadcast %broadcast_in_dim3A : f32 to vector<16xf32>
    %parallel_loop3A = arith.constant 0 : i32
    %parallel_loop3A_45 = arith.constant 64 : i32
    %parallel_loop3A_46 = arith.constant 4 : i32
    %parallel_loop3A_47:4 = scf.for %parallel_loop3A_59 = %parallel_loop3A to %parallel_loop3A_45 step %parallel_loop3A_46 iter_args(%parallel_loop3A_60 = %broadcast_in_dim3A_44, %parallel_loop3A_61 = %broadcast_in_dim3A_44, %parallel_loop3A_62 = %broadcast_in_dim3A_44, %parallel_loop3A_63 = %broadcast_in_dim3A_44) -> (vector<16xf32>, vector<16xf32>, vector<16xf32>, vector<16xf32>)  : i32 {
      %parallel_loop3A_64 = arith.constant 16 : i32
      %parallel_loop3A_65 = arith.divsi %parallel_loop3A_59, %parallel_loop3A_64 : i32
      %parallel_loop3A_66 = arith.constant 0 : i32
      %parallel_loop3A_67 = arith.cmpi sgt, %parallel_loop3A_59, %parallel_loop3A_66 : i32
      %parallel_loop3A_68 = arith.extui %parallel_loop3A_67 : i1 to i32
      %parallel_loop3A_69 = arith.constant 0 : i32
      %parallel_loop3A_70 = arith.cmpi slt, %parallel_loop3A_59, %parallel_loop3A_69 : i32
      %parallel_loop3A_71 = arith.extui %parallel_loop3A_70 : i1 to i32
      %parallel_loop3A_72 = arith.subi %parallel_loop3A_68, %parallel_loop3A_71 : i32
      %parallel_loop3A_73 = arith.constant 0 : i32
      %parallel_loop3A_74 = arith.cmpi sgt, %parallel_loop3A_64, %parallel_loop3A_73 : i32
      %parallel_loop3A_75 = arith.extui %parallel_loop3A_74 : i1 to i32
      %parallel_loop3A_76 = arith.constant 0 : i32
      %parallel_loop3A_77 = arith.cmpi slt, %parallel_loop3A_64, %parallel_loop3A_76 : i32
      %parallel_loop3A_78 = arith.extui %parallel_loop3A_77 : i1 to i32
      %parallel_loop3A_79 = arith.subi %parallel_loop3A_75, %parallel_loop3A_78 : i32
      %parallel_loop3A_80 = arith.cmpi ne, %parallel_loop3A_72, %parallel_loop3A_79 : i32
      %parallel_loop3A_81 = arith.remsi %parallel_loop3A_59, %parallel_loop3A_64 : i32
      %parallel_loop3A_82 = arith.constant 0 : i32
      %parallel_loop3A_83 = arith.cmpi ne, %parallel_loop3A_81, %parallel_loop3A_82 : i32
      %parallel_loop3A_84 = arith.andi %parallel_loop3A_80, %parallel_loop3A_83 : i1
      %parallel_loop3A_85 = arith.constant 1 : i32
      %parallel_loop3A_86 = arith.subi %parallel_loop3A_65, %parallel_loop3A_85 : i32
      %parallel_loop3A_87 = arith.select %parallel_loop3A_84, %parallel_loop3A_86, %parallel_loop3A_65 : i32
      %parallel_loop3A_88 = arith.constant 16 : i32
      %parallel_loop3A_89 = arith.muli %parallel_loop3A_87, %parallel_loop3A_88 : i32
      %parallel_loop3A_90 = arith.index_cast %parallel_loop3A_89 : i32 to index
      %parallel_loop3A_91 = tpu.vector_load %arg7[%parallel_loop3A_90] {strides = array<i32>} : memref<64xf32, #tpu.memory_space<vmem>>, vector<16xf32>,
      %parallel_loop3A_92 = vector.shape_cast %parallel_loop3A_91 : vector<16xf32> to vector<16xf32>
      %parallel_loop3A_93 = arith.constant 0 : i32
      %parallel_loop3A_94 = arith.addi %parallel_loop3A_59, %parallel_loop3A_93 : i32
      %parallel_loop3A_95 = arith.addi %mul3A_37, %parallel_loop3A_89 : i32
      %parallel_loop3A_96 = arith.index_cast %parallel_loop3A_94 : i32 to index
      %parallel_loop3A_97 = arith.index_cast %parallel_loop3A_95 : i32 to index
      %parallel_loop3A_98 = tpu.vector_load %arg8[%parallel_loop3A_96, %parallel_loop3A_97] {strides = array<i32>} : memref<64x128xf32, #tpu.memory_space<vmem>>, vector<1x16xf32>,
      %parallel_loop3A_99 = vector.shape_cast %parallel_loop3A_98 : vector<1x16xf32> to vector<16xf32>
      %parallel_loop3A_100 = arith.subi %parallel_loop3A_94, %parallel_loop3A_89 : i32
      %parallel_loop3A_101 = vector.broadcast %parallel_loop3A_100 : i32 to vector<16xi32>
      %parallel_loop3A_102 = arith.cmpi eq, %iota3A, %parallel_loop3A_101 : vector<16xi32>
      %parallel_loop3A_103 = arith.mulf %parallel_loop3A_99, %parallel_loop3A_92 : vector<16xf32>
      %parallel_loop3A_104 = arith.constant 0.000000e+00 : f32
      %parallel_loop3A_105 = vector.broadcast %parallel_loop3A_104 : f32 to vector<16xf32>
      %parallel_loop3A_106 = arith.select %parallel_loop3A_102, %parallel_loop3A_103, %parallel_loop3A_105 : vector<16xi1>, vector<16xf32>
      %parallel_loop3A_107 = arith.addf %parallel_loop3A_60, %parallel_loop3A_106 : vector<16xf32>
      %parallel_loop3A_108 = arith.constant 1 : i32
      %parallel_loop3A_109 = arith.addi %parallel_loop3A_59, %parallel_loop3A_108 : i32
      %parallel_loop3A_110 = arith.addi %mul3A_37, %parallel_loop3A_89 : i32
      %parallel_loop3A_111 = arith.index_cast %parallel_loop3A_109 : i32 to index
      %parallel_loop3A_112 = arith.index_cast %parallel_loop3A_110 : i32 to index
      %parallel_loop3A_113 = tpu.vector_load %arg8[%parallel_loop3A_111, %parallel_loop3A_112] {strides = array<i32>} : memref<64x128xf32, #tpu.memory_space<vmem>>, vector<1x16xf32>,
      %parallel_loop3A_114 = vector.shape_cast %parallel_loop3A_113 : vector<1x16xf32> to vector<16xf32>
      %parallel_loop3A_115 = arith.subi %parallel_loop3A_109, %parallel_loop3A_89 : i32
      %parallel_loop3A_116 = vector.broadcast %parallel_loop3A_115 : i32 to vector<16xi32>
      %parallel_loop3A_117 = arith.cmpi eq, %iota3A, %parallel_loop3A_116 : vector<16xi32>
      %parallel_loop3A_118 = arith.mulf %parallel_loop3A_114, %parallel_loop3A_92 : vector<16xf32>
      %parallel_loop3A_119 = arith.constant 0.000000e+00 : f32
      %parallel_loop3A_120 = vector.broadcast %parallel_loop3A_119 : f32 to vector<16xf32>
      %parallel_loop3A_121 = arith.select %parallel_loop3A_117, %parallel_loop3A_118, %parallel_loop3A_120 : vector<16xi1>, vector<16xf32>
      %parallel_loop3A_122 = arith.addf %parallel_loop3A_61, %parallel_loop3A_121 : vector<16xf32>
      %parallel_loop3A_123 = arith.constant 2 : i32
      %parallel_loop3A_124 = arith.addi %parallel_loop3A_59, %parallel_loop3A_123 : i32
      %parallel_loop3A_125 = arith.addi %mul3A_37, %parallel_loop3A_89 : i32
      %parallel_loop3A_126 = arith.index_cast %parallel_loop3A_124 : i32 to index
      %parallel_loop3A_127 = arith.index_cast %parallel_loop3A_125 : i32 to index
      %parallel_loop3A_128 = tpu.vector_load %arg8[%parallel_loop3A_126, %parallel_loop3A_127] {strides = array<i32>} : memref<64x128xf32, #tpu.memory_space<vmem>>, vector<1x16xf32>,
      %parallel_loop3A_129 = vector.shape_cast %parallel_loop3A_128 : vector<1x16xf32> to vector<16xf32>
      %parallel_loop3A_130 = arith.subi %parallel_loop3A_124, %parallel_loop3A_89 : i32
      %parallel_loop3A_131 = vector.broadcast %parallel_loop3A_130 : i32 to vector<16xi32>
      %parallel_loop3A_132 = arith.cmpi eq, %iota3A, %parallel_loop3A_131 : vector<16xi32>
      %parallel_loop3A_133 = arith.mulf %parallel_loop3A_129, %parallel_loop3A_92 : vector<16xf32>
      %parallel_loop3A_134 = arith.constant 0.000000e+00 : f32
      %parallel_loop3A_135 = vector.broadcast %parallel_loop3A_134 : f32 to vector<16xf32>
      %parallel_loop3A_136 = arith.select %parallel_loop3A_132, %parallel_loop3A_133, %parallel_loop3A_135 : vector<16xi1>, vector<16xf32>
      %parallel_loop3A_137 = arith.addf %parallel_loop3A_62, %parallel_loop3A_136 : vector<16xf32>
      %parallel_loop3A_138 = arith.constant 3 : i32
      %parallel_loop3A_139 = arith.addi %parallel_loop3A_59, %parallel_loop3A_138 : i32
      %parallel_loop3A_140 = arith.addi %mul3A_37, %parallel_loop3A_89 : i32
      %parallel_loop3A_141 = arith.index_cast %parallel_loop3A_139 : i32 to index
      %parallel_loop3A_142 = arith.index_cast %parallel_loop3A_140 : i32 to index
      %parallel_loop3A_143 = tpu.vector_load %arg8[%parallel_loop3A_141, %parallel_loop3A_142] {strides = array<i32>} : memref<64x128xf32, #tpu.memory_space<vmem>>, vector<1x16xf32>,
      %parallel_loop3A_144 = vector.shape_cast %parallel_loop3A_143 : vector<1x16xf32> to vector<16xf32>
      %parallel_loop3A_145 = arith.subi %parallel_loop3A_139, %parallel_loop3A_89 : i32
      %parallel_loop3A_146 = vector.broadcast %parallel_loop3A_145 : i32 to vector<16xi32>
      %parallel_loop3A_147 = arith.cmpi eq, %iota3A, %parallel_loop3A_146 : vector<16xi32>
      %parallel_loop3A_148 = arith.mulf %parallel_loop3A_144, %parallel_loop3A_92 : vector<16xf32>
      %parallel_loop3A_149 = arith.constant 0.000000e+00 : f32
      %parallel_loop3A_150 = vector.broadcast %parallel_loop3A_149 : f32 to vector<16xf32>
      %parallel_loop3A_151 = arith.select %parallel_loop3A_147, %parallel_loop3A_148, %parallel_loop3A_150 : vector<16xi1>, vector<16xf32>
      %parallel_loop3A_152 = arith.addf %parallel_loop3A_63, %parallel_loop3A_151 : vector<16xf32>
      scf.yield %parallel_loop3A_107, %parallel_loop3A_122, %parallel_loop3A_137, %parallel_loop3A_152 : vector<16xf32>, vector<16xf32>, vector<16xf32>, vector<16xf32>
    } {sc.loop_unroll_factor = 1 : i64, sc.parallel_access}
    %add3A_48 = arith.addf %parallel_loop3A_47#0, %parallel_loop3A_47#1 : vector<16xf32>
    %add3A_49 = arith.addf %parallel_loop3A_47#2, %parallel_loop3A_47#3 : vector<16xf32>
    %add3A_50 = arith.addf %add3A_48, %add3A_49 : vector<16xf32>
    %swap3A = arith.constant 0 : index
    %swap3A_51 = tpu.vector_load %arg9[%swap3A] {strides = array<i32>} : memref<16xf32, #tpu.memory_space<vmem>>, vector<16xf32>,
    %swap3A_52 = vector.shape_cast %swap3A_51 : vector<16xf32> to vector<16xf32>
    %swap3A_53 = vector.shape_cast %add3A_50 : vector<16xf32> to vector<16xf32>
    tpu.vector_store %arg9[%swap3A], %swap3A_53 {strides = array<i32>} : memref<16xf32, #tpu.memory_space<vmem>>, vector<16xf32>,
    %mul3A_54 = arith.constant 16 : i32
    %mul3A_55 = arith.muli %arg1, %mul3A_54 : i32
    "tpu.region"() ({
      %run_scoped3A = tpu.sem_alloc : memref<!tpu.dma_semaphore, #tpu.memory_space<semaphore_mem>>
      %dma_start3A_59 = tpu.memref_slice %arg12[%mul3A_55] : memref<256xf32, #tpu.memory_space<vmem_shared>> -> memref<16xf32, #tpu.memory_space<vmem_shared>>
      %dma_start3A_60 = tpu.memref_slice %arg12[%mul3A_55] : memref<256xf32, #tpu.memory_space<vmem_shared>> -> memref<16xf32, #tpu.memory_space<vmem_shared>>
      tpu.enqueue_dma source(%arg9 : memref<16xf32, #tpu.memory_space<vmem>>) target(%dma_start3A_60 : memref<16xf32, #tpu.memory_space<vmem_shared>>) target_semaphore(%run_scoped3A : memref<!tpu.dma_semaphore, #tpu.memory_space<semaphore_mem>>)
      %dma_wait3A_61 = tpu.memref_slice %arg12[%mul3A_55] : memref<256xf32, #tpu.memory_space<vmem_shared>> -> memref<16xf32, #tpu.memory_space<vmem_shared>>
      %dma_wait3A_62 = tpu.memref_slice %arg12[%mul3A_55] : memref<256xf32, #tpu.memory_space<vmem_shared>> -> memref<16xf32, #tpu.memory_space<vmem_shared>>
      tpu.wait_dma2 semaphore(%run_scoped3A : memref<!tpu.dma_semaphore, #tpu.memory_space<semaphore_mem>>) src(%arg9 : memref<16xf32, #tpu.memory_space<vmem>>) dst(%dma_wait3A_62 : memref<16xf32, #tpu.memory_space<vmem_shared>>)
      tpu.yield
    }) : () -> ()
    %barrier3A = arith.constant 0 : index
    tpu.barrier barrier_id(%barrier3A)
    %eq3A_56 = arith.constant 0 : i32
    %eq3A_57 = arith.cmpi eq, %arg1, %eq3A_56 : i32
    %convert_element_type3A = arith.extui %eq3A_57 : i1 to i32
    %cond3A = arith.constant 0 : i32
    %cond3A_58 = arith.cmpi ne, %convert_element_type3A, %cond3A : i32
    scf.if %cond3A_58 {
      "tpu.region"() ({
        %run_scoped3A = tpu.sem_alloc : memref<!tpu.dma_semaphore, #tpu.memory_space<semaphore_mem>>
        tpu.enqueue_dma source(%arg12 : memref<256xf32, #tpu.memory_space<vmem_shared>>) target(%arg10 : memref<256xf32, #tpu.memory_space<vmem>>) target_semaphore(%run_scoped3A : memref<!tpu.dma_semaphore, #tpu.memory_space<semaphore_mem>>)
        tpu.wait_dma2 semaphore(%run_scoped3A : memref<!tpu.dma_semaphore, #tpu.memory_space<semaphore_mem>>) src(%arg12 : memref<256xf32, #tpu.memory_space<vmem_shared>>) dst(%arg10 : memref<256xf32, #tpu.memory_space<vmem>>)
        tpu.yield
      }) : () -> ()
      %broadcast_in_dim3A_59 = arith.constant 0.000000e+00 : f32
      %broadcast_in_dim3A_60 = vector.broadcast %broadcast_in_dim3A_59 : f32 to vector<16xf32>
      %scan3A = arith.constant 0 : i32
      %scan3A_61 = arith.constant 16 : i32
      %scan3A_62 = arith.addi %scan3A, %scan3A_61 : i32
      %scan3A_63 = arith.constant 1 : i32
      %scan3A_64 = scf.for %scan3A_117 = %scan3A to %scan3A_62 step %scan3A_63 iter_args(%scan3A_118 = %broadcast_in_dim3A_60) -> (vector<16xf32>)  : i32 {
        %mul3A_119 = arith.constant 16 : i32
        %mul3A_120 = arith.muli %scan3A_117, %mul3A_119 : i32
        %get3A = arith.index_cast %mul3A_120 : i32 to index
        %get3A_121 = tpu.vector_load %arg10[%get3A] {strides = array<i32>} : memref<256xf32, #tpu.memory_space<vmem>>, vector<16xf32>,
        %get3A_122 = vector.shape_cast %get3A_121 : vector<16xf32> to vector<16xf32>
        %add3A_123 = arith.addf %scan3A_118, %get3A_122 : vector<16xf32>
        scf.yield %add3A_123 : vector<16xf32>
      }
      %scan3A_65 = arith.constant 16 : i32
      %slice3A = vector.extract_strided_slice %scan3A_64 {offsets = [0], sizes = [1], strides = [1]} : vector<16xf32> to vector<1xf32>
      %squeeze3A = vector.extract %slice3A[0] : f32 from vector<1xf32>
      %slice3A_66 = vector.extract_strided_slice %scan3A_64 {offsets = [1], sizes = [1], strides = [1]} : vector<16xf32> to vector<1xf32>
      %squeeze3A_67 = vector.extract %slice3A_66[0] : f32 from vector<1xf32>
      %add3A_68 = arith.addf %squeeze3A, %squeeze3A_67 : f32
      %slice3A_69 = vector.extract_strided_slice %scan3A_64 {offsets = [2], sizes = [1], strides = [1]} : vector<16xf32> to vector<1xf32>
      %squeeze3A_70 = vector.extract %slice3A_69[0] : f32 from vector<1xf32>
      %add3A_71 = arith.addf %add3A_68, %squeeze3A_70 : f32
      %slice3A_72 = vector.extract_strided_slice %scan3A_64 {offsets = [3], sizes = [1], strides = [1]} : vector<16xf32> to vector<1xf32>
      %squeeze3A_73 = vector.extract %slice3A_72[0] : f32 from vector<1xf32>
      %add3A_74 = arith.addf %add3A_71, %squeeze3A_73 : f32
      %slice3A_75 = vector.extract_strided_slice %scan3A_64 {offsets = [4], sizes = [1], strides = [1]} : vector<16xf32> to vector<1xf32>
      %squeeze3A_76 = vector.extract %slice3A_75[0] : f32 from vector<1xf32>
      %add3A_77 = arith.addf %add3A_74, %squeeze3A_76 : f32
      %slice3A_78 = vector.extract_strided_slice %scan3A_64 {offsets = [5], sizes = [1], strides = [1]} : vector<16xf32> to vector<1xf32>
      %squeeze3A_79 = vector.extract %slice3A_78[0] : f32 from vector<1xf32>
      %add3A_80 = arith.addf %add3A_77, %squeeze3A_79 : f32
      %slice3A_81 = vector.extract_strided_slice %scan3A_64 {offsets = [6], sizes = [1], strides = [1]} : vector<16xf32> to vector<1xf32>
      %squeeze3A_82 = vector.extract %slice3A_81[0] : f32 from vector<1xf32>
      %add3A_83 = arith.addf %add3A_80, %squeeze3A_82 : f32
      %slice3A_84 = vector.extract_strided_slice %scan3A_64 {offsets = [7], sizes = [1], strides = [1]} : vector<16xf32> to vector<1xf32>
      %squeeze3A_85 = vector.extract %slice3A_84[0] : f32 from vector<1xf32>
      %add3A_86 = arith.addf %add3A_83, %squeeze3A_85 : f32
      %slice3A_87 = vector.extract_strided_slice %scan3A_64 {offsets = [8], sizes = [1], strides = [1]} : vector<16xf32> to vector<1xf32>
      %squeeze3A_88 = vector.extract %slice3A_87[0] : f32 from vector<1xf32>
      %add3A_89 = arith.addf %add3A_86, %squeeze3A_88 : f32
      %slice3A_90 = vector.extract_strided_slice %scan3A_64 {offsets = [9], sizes = [1], strides = [1]} : vector<16xf32> to vector<1xf32>
      %squeeze3A_91 = vector.extract %slice3A_90[0] : f32 from vector<1xf32>
      %add3A_92 = arith.addf %add3A_89, %squeeze3A_91 : f32
      %slice3A_93 = vector.extract_strided_slice %scan3A_64 {offsets = [10], sizes = [1], strides = [1]} : vector<16xf32> to vector<1xf32>
      %squeeze3A_94 = vector.extract %slice3A_93[0] : f32 from vector<1xf32>
      %add3A_95 = arith.addf %add3A_92, %squeeze3A_94 : f32
      %slice3A_96 = vector.extract_strided_slice %scan3A_64 {offsets = [11], sizes = [1], strides = [1]} : vector<16xf32> to vector<1xf32>
      %squeeze3A_97 = vector.extract %slice3A_96[0] : f32 from vector<1xf32>
      %add3A_98 = arith.addf %add3A_95, %squeeze3A_97 : f32
      %slice3A_99 = vector.extract_strided_slice %scan3A_64 {offsets = [12], sizes = [1], strides = [1]} : vector<16xf32> to vector<1xf32>
      %squeeze3A_100 = vector.extract %slice3A_99[0] : f32 from vector<1xf32>
      %add3A_101 = arith.addf %add3A_98, %squeeze3A_100 : f32
      %slice3A_102 = vector.extract_strided_slice %scan3A_64 {offsets = [13], sizes = [1], strides = [1]} : vector<16xf32> to vector<1xf32>
      %squeeze3A_103 = vector.extract %slice3A_102[0] : f32 from vector<1xf32>
      %add3A_104 = arith.addf %add3A_101, %squeeze3A_103 : f32
      %slice3A_105 = vector.extract_strided_slice %scan3A_64 {offsets = [14], sizes = [1], strides = [1]} : vector<16xf32> to vector<1xf32>
      %squeeze3A_106 = vector.extract %slice3A_105[0] : f32 from vector<1xf32>
      %add3A_107 = arith.addf %add3A_104, %squeeze3A_106 : f32
      %slice3A_108 = vector.extract_strided_slice %scan3A_64 {offsets = [15], sizes = [1], strides = [1]} : vector<16xf32> to vector<1xf32>
      %squeeze3A_109 = vector.extract %slice3A_108[0] : f32 from vector<1xf32>
      %add3A_110 = arith.addf %add3A_107, %squeeze3A_109 : f32
      %neg3A = arith.constant 0.000000e+00 : f32
      %neg3A_111 = arith.subf %neg3A, %add3A_110 : f32
      %broadcast_in_dim3A_112 = vector.broadcast %neg3A_111 : f32 to vector<16xf32>
      %swap3A_113 = arith.constant 0 : index
      %swap3A_114 = tpu.vector_load %arg11[%swap3A_113] {strides = array<i32>} : memref<16xf32, #tpu.memory_space<vmem>>, vector<16xf32>,
      %swap3A_115 = vector.shape_cast %swap3A_114 : vector<16xf32> to vector<16xf32>
      %swap3A_116 = vector.shape_cast %broadcast_in_dim3A_112 : vector<16xf32> to vector<16xf32>
      tpu.vector_store %arg11[%swap3A_113], %swap3A_116 {strides = array<i32>} : memref<16xf32, #tpu.memory_space<vmem>>, vector<16xf32>,
      "tpu.region"() ({
        %run_scoped3A = tpu.sem_alloc : memref<!tpu.dma_semaphore, #tpu.memory_space<semaphore_mem>>
        tpu.enqueue_dma source(%arg11 : memref<16xf32, #tpu.memory_space<vmem>>) target(%arg5 : memref<16xf32, #tpu.memory_space<hbm>>) target_semaphore(%run_scoped3A : memref<!tpu.dma_semaphore, #tpu.memory_space<semaphore_mem>>)
        tpu.wait_dma2 semaphore(%run_scoped3A : memref<!tpu.dma_semaphore, #tpu.memory_space<semaphore_mem>>) src(%arg11 : memref<16xf32, #tpu.memory_space<vmem>>) dst(%arg5 : memref<16xf32, #tpu.memory_space<hbm>>)
        tpu.yield
      }) : () -> ()
    } else {
    }
    return
  }
}

</mosaic_0001>

<sc_bundles>
// kernel: _sc_loss.3.cloned.1.call-start
scs
__scs_entry_jumppad:
0x0: {  	(pc) =	sbr.rel $0x88, $3  }
0x1: {  	(tag) =	ssettag $0x0;
	lr =	simm.s32 $0x1  }
0x2: {  	[smem:$0x3F9E] =	sst lr;
	_ =	strace $0xD0000000  }
0x3: {  	_ = 	snop  }
0x4: {  	_ = 	snop  }
0x5: {  	_ = 	snop  }
0x6: {  	_ = 	snop  }
0x7: {  	_ = 	snop  }
__scs_overlays_trampoline_lowered:
0x8: {  	[smem:$0x3FAD] =	sst s0  }
0x9: {  	[smem:$0x3FAE] =	sst s1  }
0xa: {  	[smem:$0x3FAF] =	sst s2  }
0xb: {  	[smem:$0x3FB0] =	sst s3  }
0xc: {  	[smem:$0x3FB1] =	sst s4  }
0xd: {  	[smem:$0x3FB2] =	sst s5  }
0xe: {  	[smem:$0x3FB3] =	sst s6  }
0xf: {  	[smem:$0x3FB4] =	sst s7  }
0x10: {  	[smem:$0x3FB5] =	sst s8  }
0x11: {  	[smem:$0x3FB6] =	sst s9;
	s0 =	simm.s32 @!p0 $0x0  }
0x12: {  	s1 =	sld [smem:$0x3F9C];
	s0 =	simm.s32 @p0 $0x1  }
0x13: {  	[smem:$0x3FB7] =	sst s0;
	s0 =	simm.s32 @!p1 $0x0  }
0x14: {  	s2 =	sld [smem:$0x3F9B];
	s0 =	simm.s32 @p1 $0x1  }
0x15: {  	[smem:$0x3FB8] =	sst s0;
	s0 =	simm.s32 @!p2 $0x0  }
0x16: {  	s3 =	sld [smem:$0x3FDB];
	s0 =	simm.s32 @p2 $0x1  }
0x17: {  	s4 =	simm.s32 $0x1BF5;
	[smem:$0x3FBA] =	sst s0  }
0x18: {  	s0 =	sld [smem:$0x3F9D];
	_ =	swait.ge [sflag:s4], $0x0  }
0x19: {  	s7 =	sld [smem:$0x3F9E]  }
0x1a: {  	s8 =	sadd.s32 $0xFFFFE003, lr  }
0x1b: {  	s9 =	sadd.s32 $0xFFFFFEF7, lr;
	s5 =	simm.s32 $0xFFFFFFFF;
	p2 =	slt.u32 s8, $0xFFFFF086  }
0x1c: {  	p1 =	slt.u32 s9, $0xF7A;
	s5 =	simm.s32 @!p2 $0x0  }
0x1d: {  	s5 =	simm.s32 @p1 $0x1;
	p0 =	seq.s32 s7, s2  }
0x1e: {  	s7 =	smul.u32 @!p0 $0xF7A, s2;
	p2 =	seq.s32 @!p0 s5, $0x0  }
0x1f: {  	s9 =	smul.u32 $0xF7A, s1;
	s8 =	simm.s32 @!p0 $0x1BF5;
	p2 =	por !p2, p0  }
0x20: {  	[sflag:s8] =	ssyncset.s32 @!p0 $0xFFFFF086;
	s6 =	sadd.s32 @!p0 s3, s7;
	s7 =	simm.s32 @!p0 $0x108  }
0x21: {  	s3 =	sadd.s32 s3, s9;
	s6 =	sadd.s32 @!p0 $0x88, s6;
	s7 =	simm.s32 @p2 $0x1082  }
0x22: {  	[simem:s7], [sflag:s8] =	dma.local @!p0 [hbm:s6], $0xF7A  }
0x23: {  	s9 =	sor.u32 $0xD0000000, s2;
	s6 =	simm.s32 $0x108;
	_ =	swait.ge @!p0 [sflag:s8], $0x0  }
0x24: {  	s3 =	sadd.s32 $0x88, s3;
	s6 =	simm.s32 @!p1 $0x1082;
	[sflag:s4] =	ssyncset.s32 $0xFFFFF086  }
0x25: {  	[simem:s6], [sflag:s4] =	dma.local [hbm:s3], $0xF7A  }
0x26: {  	[smem:$0x3F9E] =	sst s1;
	(tag) =	ssettag s2;
	_ =	strace s9  }
0x27: {  	s1 =	sld [smem:$0x3FAE]  }
0x28: {  	s2 =	sld [smem:$0x3FAF]  }
0x29: {  	s4 =	sld [smem:$0x3FB1]  }
0x2a: {  	p0 =	seq.s32 s5, $0x0;
	s5 =	sld [smem:$0x3FB2]  }
0x2b: {  	s6 =	sld [smem:$0x3FB3]  }
0x2c: {  	s7 =	sld [smem:$0x3FB4]  }
0x2d: {  	s3 =	simm.s32 $0x108;
	s8 =	sld [smem:$0x3FB5]  }
0x2e: {  	s3 =	simm.s32 @!p0 $0x1082;
	s9 =	sld [smem:$0x3FB6]  }
0x2f: {  	lr =	sadd.s32 s0, s3;
	s0 =	sld [smem:$0x3FAD]  }
0x30: {  	s3 =	sld [smem:$0x3FB0]  }
0x31: {  	[smem:$0x3FB9] =	sst s10  }
0x32: {  	s10 =	sld [smem:$0x3FB7];
	_ =	sdelay $0x3  }
0x33: {  	p0 =	seq.s32 s10, $0x1;
	s10 =	sld [smem:$0x3FB9];
	_ =	sdelay $0x3  }
0x34: {  	[smem:$0x3FB9] =	sst s10  }
0x35: {  	s10 =	sld [smem:$0x3FB8];
	_ =	sdelay $0x3  }
0x36: {  	p1 =	seq.s32 s10, $0x1;
	s10 =	sld [smem:$0x3FB9];
	_ =	sdelay $0x3  }
0x37: {  	[smem:$0x3FB9] =	sst s10  }
0x38: {  	s10 =	sld [smem:$0x3FBA]  }
0x39: {  	_ = 	snop;
	(pc) =	sbr.ind lr, $3  }
0x3a: {  	_ = 	snop  }
0x3b: {  	_ = 	snop  }
0x3c: {  	p2 =	seq.s32 s10, $0x1;
	s10 =	sld [smem:$0x3FB9]  }
0x3d: {  	_ =	shalt  }
0x3e: {  	_ =	shalt  }
0x3f: {  	_ =	shalt  }
0x40: {  	_ =	shalt  }
0x41: {  	_ =	shalt  }
0x42: {  	_ =	shalt  }
0x43: {  	_ =	shalt  }
0x44: {  	_ =	shalt  }
0x45: {  	_ =	shalt  }
0x46: {  	_ =	shalt  }
0x47: {  	_ =	shalt  }
0x48: {  	_ =	shalt  }
0x49: {  	_ =	shalt  }
0x4a: {  	_ =	shalt  }
0x4b: {  	_ =	shalt  }
0x4c: {  	_ =	shalt  }
0x4d: {  	_ =	shalt  }
0x4e: {  	_ =	shalt  }
0x4f: {  	_ =	shalt  }
0x50: {  	_ =	shalt  }
0x51: {  	_ =	shalt  }
0x52: {  	_ =	shalt  }
0x53: {  	_ =	shalt  }
0x54: {  	_ =	shalt  }
0x55: {  	_ =	shalt  }
0x56: {  	_ =	shalt  }
0x57: {  	_ =	shalt  }
0x58: {  	_ =	shalt  }
0x59: {  	_ =	shalt  }
0x5a: {  	_ =	shalt  }
0x5b: {  	_ =	shalt  }
0x5c: {  	_ =	shalt  }
0x5d: {  	_ =	shalt  }
0x5e: {  	_ =	shalt  }
0x5f: {  	_ =	shalt  }
0x60: {  	_ =	shalt  }
0x61: {  	_ =	shalt  }
0x62: {  	_ =	shalt  }
0x63: {  	_ =	shalt  }
0x64: {  	_ =	shalt  }
0x65: {  	_ =	shalt  }
0x66: {  	_ =	shalt  }
0x67: {  	_ =	shalt  }
0x68: {  	_ =	shalt  }
0x69: {  	_ =	shalt  }
0x6a: {  	_ =	shalt  }
0x6b: {  	_ =	shalt  }
0x6c: {  	_ =	shalt  }
0x6d: {  	_ =	shalt  }
0x6e: {  	_ =	shalt  }
0x6f: {  	_ =	shalt  }
0x70: {  	_ =	shalt  }
0x71: {  	_ =	shalt  }
0x72: {  	_ =	shalt  }
0x73: {  	_ =	shalt  }
0x74: {  	_ =	shalt  }
0x75: {  	_ =	shalt  }
0x76: {  	_ =	shalt  }
0x77: {  	_ =	shalt  }
0x78: {  	_ =	shalt  }
0x79: {  	_ =	shalt  }
0x7a: {  	_ =	shalt  }
0x7b: {  	_ =	shalt  }
0x7c: {  	_ =	shalt  }
0x7d: {  	_ =	shalt  }
0x7e: {  	_ =	shalt  }
0x7f: {  	_ =	shalt  }
0x80: {  	_ =	shalt  }
0x81: {  	_ =	shalt  }
0x82: {  	_ =	shalt  }
0x83: {  	_ =	shalt  }
0x84: {  	_ =	shalt  }
0x85: {  	_ =	shalt  }
0x86: {  	_ =	shalt  }
0x87: {  	_ =	shalt  }
.Lfunc_end0:
.L_simem_size_0:
called_computation_lowered:
.L_overlay_start_0:
0x88: {  	s0 =	sld [smem:$0x3FD9]  }
0x89: {  	s1 =	sld [smem:$0x3FFE];
	_ =	sdelay $0x3  }
0x8a: {  	s0 =	sadd.s32 s1, s0  }
0x8b: {  	[smem:$0x3FC5] =	sst s0  }
0x8c: {  	_ = 	snop  }
0x8d: {  	s0 =	sld [smem:$0x3FC9]  }
0x8e: {  	s17 =	sld [smem:$0x3FC8]  }
0x8f: {  	s2 =	sld [smem:$0x3FC7]  }
0x90: {  	s3 =	sld [smem:$0x3FD0];
	(tm) =	ssettm $0x1  }
0x91: {  	s4 =	sld [smem:$0x3FFB];
	_ =	sdelay $0x3  }
0x92: {  	_ =	strace s4  }
0x93: {  	s4 =	sld [smem:$0x3FFC];
	_ =	sdelay $0x3  }
0x94: {  	_ =	strace s4  }
0x95: {  	s4 =	sld [smem:$0x3FFD];
	_ =	sdelay $0x3  }
0x96: {  	_ =	strace s4  }
0x97: {  	_ =	strace $0x8FFFFFFF  }
0x98: {  	s18 =	sld [smem:$0x3FDB];
	_ =	sdelay $0x1  }
0x99: {  	s5 =	simm.s32 $_scs_section_size  }
0x9a: {  	s6 =	simm.s32 $_size__tile_overlayer_lowered;
	s7 =	simm.s32 $_tile_overlayer_lowered  }
0x9b: {  	s21 =	simm.s32 $0x1BFF;
	s20 =	sshll.u32 s7, $0x1;
	s4 =	sadd.s32 s5, s18  }
0x9c: {  	s8 =	simm.s32 $0x0;
	s19 =	sshll.u32 s6, $0x1;
	s6 =	sadd.s32 s20, s4  }
0x9d: {  	[timem:s8], [sflag:s21] =	dma.local [hbm:s6], s19  }
0x9e: {  	_ =	swait.ge [sflag:s21], s19  }
0x9f: {  	s5 =	ssub.s32 $0x0, s19;
	[sflag:s21] =	ssyncset.done $0x0  }
0xa0: {  	[sflag:s21] =	ssyncadd.s32 s5;
	_ =	sdelay $0x1  }
0xa1: {  	s22 =	simm.s32 $0x1B8B  }
0xa2: {  	_ =	swait.ge [sflag:s22], $0x1  }
0xa3: {  	[sflag:s22] =	ssyncset.done $0x0  }
0xa4: {  	s23 =	simm.s32 $0x1B8E;
	[sflag:s22] =	ssyncadd.s32 $0xFFFFFFFF  }
0xa5: {  	s24 =	simm.s32 $execute0_lowered;
	[smem:$0x3FD2] =	sst s23  }
0xa6: {  	s5 =	sshll.u32 s24, $0x1;
	_ =	strace $0x80000046;
	[dreg:$0x1] =	wrdreg $0xFFFFFFFF  }
0xa7: {  	s25 =	simm.s32 $_size_execute0_lowered;
	s4 =	sadd.s32 s4, s5;
	[dreg:$0x0] =	wrdreg $0x0  }
0xa8: {  	s5 =	sshll.u32 s25, $0x1;
	[dreg:$0x2] =	wrdreg s4  }
0xa9: {  	[dreg:$0x3] =	wrdreg s5  }
0xaa: {  	[dreg:$0x4] =	wrdreg $0xC0  }
0xab: {  	_ =	task [dreg:s8], $0x5FFFF  }
0xac: {  	[dreg:$0x1] =	wrdreg $0xFFFFFFFF  }
0xad: {  	[dreg:$0x0] =	wrdreg $0x60  }
0xae: {  	[dreg:$0x2] =	wrdreg s0  }
0xaf: {  	[dreg:$0x3] =	wrdreg s17  }
0xb0: {  	[dreg:$0x4] =	wrdreg s2  }
0xb1: {  	[dreg:$0x5] =	wrdreg s3  }
0xb2: {  	[dreg:$0x6] =	wrdreg $0x23000  }
0xb3: {  	[dreg:$0x7] =	wrdreg $0x9  }
0xb4: {  	_ =	task.clear_ibuf [dreg:s8], $0x8FFFF;
	_ =	strace $0x90000046  }
0xb5: {  	s26 =	simm.s32 $0x9;
	_ =	strace $0x80000048  }
0xb6: {  	_ =	swait.ge [sflag:s26], $0x1  }
0xb7: {  	[sflag:s26] =	ssyncadd.s32 $0xFFFFFFFF  }
0xb8: {  	_ =	strace $0x90000048  }
0xb9: {  	_ =	sfence  }
0xba: {  	s28 =	sld [smem:$0x0];
	_ =	sdelay $0x1  }
0xbb: {  	s29 =	srdreg.scid  }
0xbc: {  	s30 =	sshll.u32 s29, $0xD;
	s31 =	sshrl.u32 s29, $0x2  }
0xbd: {  	s1 =	sand.u32 $0x1, s29;
	s2 =	sand.u32 $0x4000, s30;
	s0 =	sadd.s32 s31, s28  }
0xbe: {  	s1 =	sor.u32 s2, s1;
	s0 =	sshll.u32 s0, $0x11  }
0xbf: {  	s0 =	sor.u32 s0, s1  }
0xc0: {  	s0 =	sadd.s32 $0x8F2B, s0  }
0xc1: {  	[sflag:s0] =	ssyncadd.remote.s32 $0x1  }
0xc2: {  	_ =	sfence.sel $0xFFFF  }
0xc3: {  	[dreg:$0x0] =	wrdreg $0xFFFFFFFF;
	(pc) =	sbr.abs _section_cstart, $3  }
0xc4: {  	[dreg:$0x1] =	wrdreg $0xFFFFFFFF  }
0xc5: {  	_ =	task.clear_ibuf [dreg:s8], $0x2FFFF;
	_ =	strace $0x9FFFFFFF  }
0xc6: {  	(tm) =	ssettm $0x7FFFFFFF  }
0xc7: {  	_ =	shalt  }
tec
execute0_lowered:
.L_overlay_start_1:
0x0: {  	(tag) =	ssettag $0x1  }
0x1: {  	s6 =	rddreg [dreg:$0x0]  }
0x2: {  	s4 =	rddreg [dreg:$0x1]  }
0x3: {  	s7 =	rddreg [dreg:$0x2]  }
0x4: {  	s1 =	rddreg [dreg:$0x3]  }
0x5: {  	s2 =	rddreg [dreg:$0x4];
	s5 =	simm.s32 $0x0;
	s3 =	stileid.u32  }
0x6: {  	[smem:$0x7FF] =	sst s5;
	s8 =	sshll.u32 s3, $0x3  }
0x7: {  	s0 =	rddreg [dreg:$0x5];
	_ =	strace $0x80000047;
	s4 =	sadd.s32 s4, s8  }
0x8: {  	[tilespmem:s5], [sflag:$0x1] =	stream.linear.gather [hbm4b:s4+s5], $0x40, $0x38;
	[tilespmem:$0x2310] =	vst v63  }
0x9: {  	s28 =	simm.s32 $0x80;
	s29 =	simm.s32 $0x1;
	s26 =	sadd.s32 s7, s8  }
0xa: {  	[tilespmem:s28], [sflag:$0x2] =	stream.linear.gather [hbm4b:s26+s5], $0x40, $0x38;
	[tilespmem:$0x2310] =	vst v63  }
0xb: {  	_ =	swait.ge [sflag:s29], $0x40  }
0xc: {  	[sflag:s29] =	ssyncset.done $0x0  }
0xd: {  	[sflag:s29] =	ssyncadd.s32 $0xFFFFFFC0  }
0xe: {  	v0 =	vld [tilespmem:$0x0];
	_ =	sdelay $0x4  }
0xf: {  	v1 =	vshll.u32 v0, $0x3  }
0x10: {  	v0 =	vand.u32 $0x7, v0;
	v1 =	vand.u32 $0xFFFFFFC0, v1  }
0x11: {  	v2 =	vimm.s32 $0x0;
	v18 =	vor.u32 v0, v1;
	v0 =	vlaneseq.u32  }
0x12: {  	v4 =	vperm.xlane v18, v2;
	v1 =	vmul.u32 $0x8, v0  }
0x13: {  	v3 =	vimm.s32 $0x1  }
0x14: {  	v5 =	vperm.xlane v18, v3;
	v6 =	vadd.s32 v1, v4  }
0x15: {  	v4 =	vimm.s32 $0x2  }
0x16: {  	s4 =	sshll.u32 s3, $0x6;
	v7 =	vadd.s32 v1, v5;
	v8 =	vperm.xlane v18, v4  }
0x17: {  	s30 =	sand.u32 $0x380, s4;
	v5 =	vimm.s32 $0x3  }
0x18: {  	vm0 =	vmmov $0x1;
	s31 =	simm.s32 $0x100;
	s6 =	sadd.s32 s6, s30;
	v9 =	vperm.xlane v18, v5;
	v8 =	vadd.s32 v1, v8  }
0x19: {  	[tilespmem:s31], [sflag:$0x3] =	stream.indirect_vreg.gather [hbm4b:s6+s5], $0x80, v6, vm0, $0xb8;
	v6 =	vimm.s32 $0x4;
	[tilespmem:$0x2310] =	vst v63  }
0x1a: {  	s8 =	simm.s32 $0x180;
	v10 =	vadd.s32 v1, v9;
	v9 =	vperm.xlane v18, v6  }
0x1b: {  	[tilespmem:s8], [sflag:$0x3] =	stream.indirect_vreg.gather [hbm4b:s6+s5], $0x80, v7, vm0, $0xb8;
	v7 =	vimm.s32 $0x5;
	[tilespmem:$0x2310] =	vst v63  }
0x1c: {  	s9 =	simm.s32 $0x200;
	v11 =	vadd.s32 v1, v9;
	v12 =	vperm.xlane v18, v7  }
0x1d: {  	v9 =	vimm.s32 $0x6;
	[tilespmem:s9], [sflag:$0x3] =	stream.indirect_vreg.gather [hbm4b:s6+s5], $0x80, v8, vm0, $0xb8;
	[tilespmem:$0x2310] =	vst v63  }
0x1e: {  	s10 =	simm.s32 $0x280;
	v13 =	vperm.xlane v18, v9;
	v12 =	vadd.s32 v1, v12  }
0x1f: {  	v8 =	vimm.s32 $0x7;
	[tilespmem:s10], [sflag:$0x3] =	stream.indirect_vreg.gather [hbm4b:s6+s5], $0x80, v10, vm0, $0xb8;
	[tilespmem:$0x2310] =	vst v63  }
0x20: {  	s11 =	simm.s32 $0x300;
	v14 =	vperm.xlane v18, v8;
	v13 =	vadd.s32 v1, v13  }
0x21: {  	v10 =	vimm.s32 $0x8;
	[tilespmem:s11], [sflag:$0x3] =	stream.indirect_vreg.gather [hbm4b:s6+s5], $0x80, v11, vm0, $0xb8;
	[tilespmem:$0x2310] =	vst v63  }
0x22: {  	s12 =	simm.s32 $0x380;
	v14 =	vadd.s32 v1, v14;
	v15 =	vperm.xlane v18, v10  }
0x23: {  	v11 =	vimm.s32 $0x9;
	[tilespmem:s12], [sflag:$0x3] =	stream.indirect_vreg.gather [hbm4b:s6+s5], $0x80, v12, vm0, $0xb8;
	[tilespmem:$0x2310] =	vst v63  }
0x24: {  	s13 =	simm.s32 $0x400;
	v15 =	vadd.s32 v1, v15;
	v16 =	vperm.xlane v18, v11  }
0x25: {  	v12 =	vimm.s32 $0xA;
	[tilespmem:s13], [sflag:$0x3] =	stream.indirect_vreg.gather [hbm4b:s6+s5], $0x80, v13, vm0, $0xb8;
	[tilespmem:$0x2310] =	vst v63  }
0x26: {  	s14 =	simm.s32 $0x480;
	v16 =	vadd.s32 v1, v16;
	v17 =	vperm.xlane v18, v12  }
0x27: {  	v13 =	vimm.s32 $0xB;
	[tilespmem:s14], [sflag:$0x3] =	stream.indirect_vreg.gather [hbm4b:s6+s5], $0x80, v14, vm0, $0xb8;
	[tilespmem:$0x2310] =	vst v63  }
0x28: {  	s15 =	simm.s32 $0x500;
	v17 =	vadd.s32 v1, v17;
	v19 =	vperm.xlane v18, v13  }
0x29: {  	v14 =	vimm.s32 $0xC;
	[tilespmem:s15], [sflag:$0x3] =	stream.indirect_vreg.gather [hbm4b:s6+s5], $0x80, v15, vm0, $0xb8;
	[tilespmem:$0x2310] =	vst v63  }
0x2a: {  	s16 =	simm.s32 $0x580;
	v19 =	vadd.s32 v1, v19;
	v20 =	vperm.xlane v18, v14  }
0x2b: {  	v15 =	vimm.s32 $0xD;
	[tilespmem:s16], [sflag:$0x3] =	stream.indirect_vreg.gather [hbm4b:s6+s5], $0x80, v16, vm0, $0xb8;
	[tilespmem:$0x2310] =	vst v63  }
0x2c: {  	s17 =	simm.s32 $0x600;
	v20 =	vadd.s32 v1, v20;
	v21 =	vperm.xlane v18, v15  }
0x2d: {  	v16 =	vimm.s32 $0xE;
	[tilespmem:s17], [sflag:$0x3] =	stream.indirect_vreg.gather [hbm4b:s6+s5], $0x80, v17, vm0, $0xb8;
	[tilespmem:$0x2310] =	vst v63  }
0x2e: {  	s18 =	simm.s32 $0x680;
	v21 =	vadd.s32 v1, v21;
	v22 =	vperm.xlane v18, v16  }
0x2f: {  	v17 =	vimm.s32 $0xF;
	[tilespmem:s18], [sflag:$0x3] =	stream.indirect_vreg.gather [hbm4b:s6+s5], $0x80, v19, vm0, $0xb8;
	[tilespmem:$0x2310] =	vst v63  }
0x30: {  	s19 =	simm.s32 $0x700;
	v48 =	vadd.s32 v1, v22;
	v18 =	vperm.xlane v18, v17  }
0x31: {  	[tilespmem:s19], [sflag:$0x3] =	stream.indirect_vreg.gather [hbm4b:s6+s5], $0x80, v20, vm0, $0xb8;
	[tilespmem:$0x2310] =	vst v63  }
0x32: {  	s20 =	simm.s32 $0x780;
	v18 =	vadd.s32 v1, v18  }
0x33: {  	[tilespmem:s20], [sflag:$0x3] =	stream.indirect_vreg.gather [hbm4b:s6+s5], $0x80, v21, vm0, $0xb8;
	[tilespmem:$0x2310] =	vst v63  }
0x34: {  	s21 =	simm.s32 $0x800  }
0x35: {  	[tilespmem:s21], [sflag:$0x3] =	stream.indirect_vreg.gather [hbm4b:s6+s5], $0x80, v48, vm0, $0xb8;
	[tilespmem:$0x2310] =	vst v63  }
0x36: {  	s22 =	simm.s32 $0x880  }
0x37: {  	[tilespmem:s22], [sflag:$0x3] =	stream.indirect_vreg.gather [hbm4b:s6+s5], $0x80, v18, vm0, $0xb8;
	[tilespmem:$0x2310] =	vst v63  }
0x38: {  	v18 =	vld [tilespmem:$0x10];
	_ =	sdelay $0x4  }
0x39: {  	v49 =	vshll.u32 v18, $0x3  }
0x3a: {  	v18 =	vand.u32 $0x7, v18;
	v19 =	vand.u32 $0xFFFFFFC0, v49  }
0x3b: {  	v18 =	vor.u32 v18, v19  }
0x3c: {  	v19 =	vperm.xlane v18, v2;
	_ =	sdelay $0x1  }
0x3d: {  	v50 =	vperm.xlane v18, v3;
	v19 =	vadd.s32 v1, v19;
	_ =	sdelay $0x1  }
0x3e: {  	v51 =	vperm.xlane v18, v4;
	v20 =	vadd.s32 v1, v50;
	_ =	sdelay $0x1  }
0x3f: {  	s23 =	simm.s32 $0x900;
	v52 =	vperm.xlane v18, v5;
	v21 =	vadd.s32 v1, v51  }
0x40: {  	[tilespmem:s23], [sflag:$0x3] =	stream.indirect_vreg.gather [hbm4b:s6+s5], $0x80, v19, vm0, $0xb8;
	[tilespmem:$0x2310] =	vst v63  }
0x41: {  	s24 =	simm.s32 $0x980;
	v54 =	vperm.xlane v18, v6;
	v53 =	vadd.s32 v1, v52  }
0x42: {  	[tilespmem:s24], [sflag:$0x3] =	stream.indirect_vreg.gather [hbm4b:s6+s5], $0x80, v20, vm0, $0xb8;
	[tilespmem:$0x2310] =	vst v63  }
0x43: {  	s25 =	simm.s32 $0xA00;
	v56 =	vperm.xlane v18, v7;
	v55 =	vadd.s32 v1, v54  }
0x44: {  	[tilespmem:s25], [sflag:$0x3] =	stream.indirect_vreg.gather [hbm4b:s6+s5], $0x80, v21, vm0, $0xb8;
	[tilespmem:$0x2310] =	vst v63  }
0x45: {  	s26 =	simm.s32 $0xA80;
	v58 =	vperm.xlane v18, v9;
	v57 =	vadd.s32 v1, v56  }
0x46: {  	[tilespmem:s26], [sflag:$0x3] =	stream.indirect_vreg.gather [hbm4b:s6+s5], $0x80, v53, vm0, $0xb8;
	[tilespmem:$0x2310] =	vst v63  }
0x47: {  	s28 =	simm.s32 $0xB00;
	v60 =	vperm.xlane v18, v8;
	v59 =	vadd.s32 v1, v58  }
0x48: {  	[tilespmem:s28], [sflag:$0x3] =	stream.indirect_vreg.gather [hbm4b:s6+s5], $0x80, v55, vm0, $0xb8;
	[tilespmem:$0x2310] =	vst v63  }
0x49: {  	s29 =	simm.s32 $0xB80;
	v62 =	vperm.xlane v18, v10;
	v61 =	vadd.s32 v1, v60  }
0x4a: {  	[tilespmem:s29], [sflag:$0x3] =	stream.indirect_vreg.gather [hbm4b:s6+s5], $0x80, v57, vm0, $0xb8;
	[tilespmem:$0x2310] =	vst v63  }
0x4b: {  	s30 =	simm.s32 $0xC00;
	v24 =	vperm.xlane v18, v11;
	v63 =	vadd.s32 v1, v62  }
0x4c: {  	[tilespmem:s30], [sflag:$0x3] =	stream.indirect_vreg.gather [hbm4b:s6+s5], $0x80, v59, vm0, $0xb8;
	[tilespmem:$0x2310] =	vst v63  }
0x4d: {  	s31 =	simm.s32 $0xC80;
	v26 =	vperm.xlane v18, v12;
	v25 =	vadd.s32 v1, v24  }
0x4e: {  	[tilespmem:s31], [sflag:$0x3] =	stream.indirect_vreg.gather [hbm4b:s6+s5], $0x80, v61, vm0, $0xb8;
	[tilespmem:$0x2310] =	vst v63  }
0x4f: {  	s8 =	simm.s32 $0xD00;
	v28 =	vperm.xlane v18, v13;
	v27 =	vadd.s32 v1, v26  }
0x50: {  	[tilespmem:s8], [sflag:$0x3] =	stream.indirect_vreg.gather [hbm4b:s6+s5], $0x80, v63, vm0, $0xb8;
	[tilespmem:$0x2310] =	vst v63  }
0x51: {  	s9 =	simm.s32 $0xD80;
	v30 =	vperm.xlane v18, v14;
	v29 =	vadd.s32 v1, v28  }
0x52: {  	[tilespmem:s9], [sflag:$0x3] =	stream.indirect_vreg.gather [hbm4b:s6+s5], $0x80, v25, vm0, $0xb8;
	[tilespmem:$0x2310] =	vst v63  }
0x53: {  	s10 =	simm.s32 $0xE00;
	v32 =	vperm.xlane v18, v15;
	v31 =	vadd.s32 v1, v30  }
0x54: {  	[tilespmem:s10], [sflag:$0x3] =	stream.indirect_vreg.gather [hbm4b:s6+s5], $0x80, v27, vm0, $0xb8;
	[tilespmem:$0x2310] =	vst v63  }
0x55: {  	s11 =	simm.s32 $0xE80;
	v34 =	vperm.xlane v18, v16;
	v33 =	vadd.s32 v1, v32  }
0x56: {  	[tilespmem:s11], [sflag:$0x3] =	stream.indirect_vreg.gather [hbm4b:s6+s5], $0x80, v29, vm0, $0xb8;
	[tilespmem:$0x2310] =	vst v63  }
0x57: {  	s12 =	simm.s32 $0xF00;
	v18 =	vperm.xlane v18, v17;
	v35 =	vadd.s32 v1, v34  }
0x58: {  	[tilespmem:s12], [sflag:$0x3] =	stream.indirect_vreg.gather [hbm4b:s6+s5], $0x80, v31, vm0, $0xb8;
	[tilespmem:$0x2310] =	vst v63  }
0x59: {  	s13 =	simm.s32 $0xF80;
	v18 =	vadd.s32 v1, v18  }
0x5a: {  	[tilespmem:s13], [sflag:$0x3] =	stream.indirect_vreg.gather [hbm4b:s6+s5], $0x80, v33, vm0, $0xb8;
	[tilespmem:$0x2310] =	vst v63  }
0x5b: {  	s14 =	simm.s32 $0x1000  }
0x5c: {  	[tilespmem:s14], [sflag:$0x3] =	stream.indirect_vreg.gather [hbm4b:s6+s5], $0x80, v35, vm0, $0xb8;
	[tilespmem:$0x2310] =	vst v63  }
0x5d: {  	s15 =	simm.s32 $0x1080  }
0x5e: {  	[tilespmem:s15], [sflag:$0x3] =	stream.indirect_vreg.gather [hbm4b:s6+s5], $0x80, v18, vm0, $0xb8;
	[tilespmem:$0x2310] =	vst v63  }
0x5f: {  	v18 =	vld [tilespmem:$0x20];
	_ =	sdelay $0x4  }
0x60: {  	v36 =	vshll.u32 v18, $0x3  }
0x61: {  	v18 =	vand.u32 $0x7, v18;
	v19 =	vand.u32 $0xFFFFFFC0, v36  }
0x62: {  	v18 =	vor.u32 v18, v19  }
0x63: {  	v19 =	vperm.xlane v18, v2;
	_ =	sdelay $0x1  }
0x64: {  	v37 =	vperm.xlane v18, v3;
	v19 =	vadd.s32 v1, v19;
	_ =	sdelay $0x1  }
0x65: {  	v38 =	vperm.xlane v18, v4;
	v20 =	vadd.s32 v1, v37;
	_ =	sdelay $0x1  }
0x66: {  	s16 =	simm.s32 $0x1100;
	v39 =	vperm.xlane v18, v5;
	v21 =	vadd.s32 v1, v38  }
0x67: {  	[tilespmem:s16], [sflag:$0x3] =	stream.indirect_vreg.gather [hbm4b:s6+s5], $0x80, v19, vm0, $0xb8;
	[tilespmem:$0x2310] =	vst v63  }
0x68: {  	s17 =	simm.s32 $0x1180;
	v41 =	vperm.xlane v18, v6;
	v40 =	vadd.s32 v1, v39  }
0x69: {  	[tilespmem:s17], [sflag:$0x3] =	stream.indirect_vreg.gather [hbm4b:s6+s5], $0x80, v20, vm0, $0xb8;
	[tilespmem:$0x2310] =	vst v63  }
0x6a: {  	s18 =	simm.s32 $0x1200;
	v43 =	vperm.xlane v18, v7;
	v42 =	vadd.s32 v1, v41  }
0x6b: {  	[tilespmem:s18], [sflag:$0x3] =	stream.indirect_vreg.gather [hbm4b:s6+s5], $0x80, v21, vm0, $0xb8;
	[tilespmem:$0x2310] =	vst v63  }
0x6c: {  	s19 =	simm.s32 $0x1280;
	v45 =	vperm.xlane v18, v9;
	v44 =	vadd.s32 v1, v43  }
0x6d: {  	[tilespmem:s19], [sflag:$0x3] =	stream.indirect_vreg.gather [hbm4b:s6+s5], $0x80, v40, vm0, $0xb8;
	[tilespmem:$0x2310] =	vst v63  }
0x6e: {  	s20 =	simm.s32 $0x1300;
	v47 =	vperm.xlane v18, v8;
	v46 =	vadd.s32 v1, v45  }
0x6f: {  	[tilespmem:s20], [sflag:$0x3] =	stream.indirect_vreg.gather [hbm4b:s6+s5], $0x80, v42, vm0, $0xb8;
	[tilespmem:$0x2310] =	vst v63  }
0x70: {  	s21 =	simm.s32 $0x1380;
	v49 =	vperm.xlane v18, v10;
	v48 =	vadd.s32 v1, v47  }
0x71: {  	[tilespmem:s21], [sflag:$0x3] =	stream.indirect_vreg.gather [hbm4b:s6+s5], $0x80, v44, vm0, $0xb8;
	[tilespmem:$0x2310] =	vst v63  }
0x72: {  	s22 =	simm.s32 $0x1400;
	v51 =	vperm.xlane v18, v11;
	v50 =	vadd.s32 v1, v49  }
0x73: {  	[tilespmem:s22], [sflag:$0x3] =	stream.indirect_vreg.gather [hbm4b:s6+s5], $0x80, v46, vm0, $0xb8;
	[tilespmem:$0x2310] =	vst v63  }
0x74: {  	s23 =	simm.s32 $0x1480;
	v53 =	vperm.xlane v18, v12;
	v52 =	vadd.s32 v1, v51  }
0x75: {  	[tilespmem:s23], [sflag:$0x3] =	stream.indirect_vreg.gather [hbm4b:s6+s5], $0x80, v48, vm0, $0xb8;
	[tilespmem:$0x2310] =	vst v63  }
0x76: {  	s24 =	simm.s32 $0x1500;
	v55 =	vperm.xlane v18, v13;
	v54 =	vadd.s32 v1, v53  }
0x77: {  	[tilespmem:s24], [sflag:$0x3] =	stream.indirect_vreg.gather [hbm4b:s6+s5], $0x80, v50, vm0, $0xb8;
	[tilespmem:$0x2310] =	vst v63  }
0x78: {  	s25 =	simm.s32 $0x1580;
	v57 =	vperm.xlane v18, v14;
	v56 =	vadd.s32 v1, v55  }
0x79: {  	[tilespmem:s25], [sflag:$0x3] =	stream.indirect_vreg.gather [hbm4b:s6+s5], $0x80, v52, vm0, $0xb8;
	[tilespmem:$0x2310] =	vst v63  }
0x7a: {  	s26 =	simm.s32 $0x1600;
	v59 =	vperm.xlane v18, v15;
	v58 =	vadd.s32 v1, v57  }
0x7b: {  	[tilespmem:s26], [sflag:$0x3] =	stream.indirect_vreg.gather [hbm4b:s6+s5], $0x80, v54, vm0, $0xb8;
	[tilespmem:$0x2310] =	vst v63  }
0x7c: {  	s28 =	simm.s32 $0x1680;
	v61 =	vperm.xlane v18, v16;
	v60 =	vadd.s32 v1, v59  }
0x7d: {  	[tilespmem:s28], [sflag:$0x3] =	stream.indirect_vreg.gather [hbm4b:s6+s5], $0x80, v56, vm0, $0xb8;
	[tilespmem:$0x2310] =	vst v63  }
0x7e: {  	s29 =	simm.s32 $0x1700;
	v18 =	vperm.xlane v18, v17;
	v62 =	vadd.s32 v1, v61  }
0x7f: {  	[tilespmem:s29], [sflag:$0x3] =	stream.indirect_vreg.gather [hbm4b:s6+s5], $0x80, v58, vm0, $0xb8;
	[tilespmem:$0x2310] =	vst v63  }
0x80: {  	s30 =	simm.s32 $0x1780;
	v18 =	vadd.s32 v1, v18  }
0x81: {  	[tilespmem:s30], [sflag:$0x3] =	stream.indirect_vreg.gather [hbm4b:s6+s5], $0x80, v60, vm0, $0xb8;
	[tilespmem:$0x2310] =	vst v63  }
0x82: {  	s31 =	simm.s32 $0x1800  }
0x83: {  	[tilespmem:s31], [sflag:$0x3] =	stream.indirect_vreg.gather [hbm4b:s6+s5], $0x80, v62, vm0, $0xb8;
	[tilespmem:$0x2310] =	vst v63  }
0x84: {  	s8 =	simm.s32 $0x1880  }
0x85: {  	[tilespmem:s8], [sflag:$0x3] =	stream.indirect_vreg.gather [hbm4b:s6+s5], $0x80, v18, vm0, $0xb8;
	[tilespmem:$0x2310] =	vst v63  }
0x86: {  	v18 =	vld [tilespmem:$0x30];
	_ =	sdelay $0x4  }
0x87: {  	v63 =	vshll.u32 v18, $0x3  }
0x88: {  	v18 =	vand.u32 $0x7, v18;
	v19 =	vand.u32 $0xFFFFFFC0, v63  }
0x89: {  	v18 =	vor.u32 v18, v19  }
0x8a: {  	v2 =	vperm.xlane v18, v2;
	_ =	sdelay $0x1  }
0x8b: {  	v3 =	vperm.xlane v18, v3;
	v2 =	vadd.s32 v1, v2;
	_ =	sdelay $0x1  }
0x8c: {  	v4 =	vperm.xlane v18, v4;
	v3 =	vadd.s32 v1, v3;
	_ =	sdelay $0x1  }
0x8d: {  	s9 =	simm.s32 $0x1900;
	v5 =	vperm.xlane v18, v5;
	v4 =	vadd.s32 v1, v4  }
0x8e: {  	[tilespmem:s9], [sflag:$0x3] =	stream.indirect_vreg.gather [hbm4b:s6+s5], $0x80, v2, vm0, $0xb8;
	[tilespmem:$0x2310] =	vst v63  }
0x8f: {  	s10 =	simm.s32 $0x1980;
	v2 =	vadd.s32 v1, v5;
	v5 =	vperm.xlane v18, v6  }
0x90: {  	[tilespmem:s10], [sflag:$0x3] =	stream.indirect_vreg.gather [hbm4b:s6+s5], $0x80, v3, vm0, $0xb8;
	[tilespmem:$0x2310] =	vst v63  }
0x91: {  	s11 =	simm.s32 $0x1A00;
	v3 =	vadd.s32 v1, v5;
	v5 =	vperm.xlane v18, v7  }
0x92: {  	[tilespmem:s11], [sflag:$0x3] =	stream.indirect_vreg.gather [hbm4b:s6+s5], $0x80, v4, vm0, $0xb8;
	[tilespmem:$0x2310] =	vst v63  }
0x93: {  	s12 =	simm.s32 $0x1A80;
	v4 =	vadd.s32 v1, v5;
	v5 =	vperm.xlane v18, v9  }
0x94: {  	[tilespmem:s12], [sflag:$0x3] =	stream.indirect_vreg.gather [hbm4b:s6+s5], $0x80, v2, vm0, $0xb8;
	[tilespmem:$0x2310] =	vst v63  }
0x95: {  	s13 =	simm.s32 $0x1B00;
	v2 =	vadd.s32 v1, v5;
	v5 =	vperm.xlane v18, v8  }
0x96: {  	[tilespmem:s13], [sflag:$0x3] =	stream.indirect_vreg.gather [hbm4b:s6+s5], $0x80, v3, vm0, $0xb8;
	[tilespmem:$0x2310] =	vst v63  }
0x97: {  	s14 =	simm.s32 $0x1B80;
	v3 =	vadd.s32 v1, v5;
	v5 =	vperm.xlane v18, v10  }
0x98: {  	[tilespmem:s14], [sflag:$0x3] =	stream.indirect_vreg.gather [hbm4b:s6+s5], $0x80, v4, vm0, $0xb8;
	[tilespmem:$0x2310] =	vst v63  }
0x99: {  	s15 =	simm.s32 $0x1C00;
	v4 =	vadd.s32 v1, v5;
	v5 =	vperm.xlane v18, v11  }
0x9a: {  	[tilespmem:s15], [sflag:$0x3] =	stream.indirect_vreg.gather [hbm4b:s6+s5], $0x80, v2, vm0, $0xb8;
	[tilespmem:$0x2310] =	vst v63  }
0x9b: {  	s16 =	simm.s32 $0x1C80;
	v2 =	vadd.s32 v1, v5;
	v5 =	vperm.xlane v18, v12  }
0x9c: {  	[tilespmem:s16], [sflag:$0x3] =	stream.indirect_vreg.gather [hbm4b:s6+s5], $0x80, v3, vm0, $0xb8;
	[tilespmem:$0x2310] =	vst v63  }
0x9d: {  	s17 =	simm.s32 $0x1D00;
	v3 =	vadd.s32 v1, v5;
	v5 =	vperm.xlane v18, v13  }
0x9e: {  	[tilespmem:s17], [sflag:$0x3] =	stream.indirect_vreg.gather [hbm4b:s6+s5], $0x80, v4, vm0, $0xb8;
	[tilespmem:$0x2310] =	vst v63  }
0x9f: {  	s18 =	simm.s32 $0x1D80;
	v4 =	vadd.s32 v1, v5;
	v5 =	vperm.xlane v18, v14  }
0xa0: {  	[tilespmem:s18], [sflag:$0x3] =	stream.indirect_vreg.gather [hbm4b:s6+s5], $0x80, v2, vm0, $0xb8;
	[tilespmem:$0x2310] =	vst v63  }
0xa1: {  	s19 =	simm.s32 $0x1E00;
	v2 =	vadd.s32 v1, v5;
	v5 =	vperm.xlane v18, v15  }
0xa2: {  	[tilespmem:s19], [sflag:$0x3] =	stream.indirect_vreg.gather [hbm4b:s6+s5], $0x80, v3, vm0, $0xb8;
	[tilespmem:$0x2310] =	vst v63  }
0xa3: {  	s20 =	simm.s32 $0x1E80;
	v3 =	vadd.s32 v1, v5;
	v5 =	vperm.xlane v18, v16  }
0xa4: {  	[tilespmem:s20], [sflag:$0x3] =	stream.indirect_vreg.gather [hbm4b:s6+s5], $0x80, v4, vm0, $0xb8;
	[tilespmem:$0x2310] =	vst v63  }
0xa5: {  	s21 =	simm.s32 $0x1F00;
	v4 =	vadd.s32 v1, v5;
	v5 =	vperm.xlane v18, v17  }
0xa6: {  	[tilespmem:s21], [sflag:$0x3] =	stream.indirect_vreg.gather [hbm4b:s6+s5], $0x80, v2, vm0, $0xb8;
	[tilespmem:$0x2310] =	vst v63  }
0xa7: {  	s22 =	simm.s32 $0x1F80;
	v1 =	vadd.s32 v1, v5  }
0xa8: {  	[tilespmem:s22], [sflag:$0x3] =	stream.indirect_vreg.gather [hbm4b:s6+s5], $0x80, v3, vm0, $0xb8;
	[tilespmem:$0x2310] =	vst v63  }
0xa9: {  	s23 =	simm.s32 $0x2000  }
0xaa: {  	[tilespmem:s23], [sflag:$0x3] =	stream.indirect_vreg.gather [hbm4b:s6+s5], $0x80, v4, vm0, $0xb8;
	[tilespmem:$0x2310] =	vst v63  }
0xab: {  	s24 =	simm.s32 $0x2080;
	s25 =	simm.s32 $0x2  }
0xac: {  	[tilespmem:s24], [sflag:$0x3] =	stream.indirect_vreg.gather [hbm4b:s6+s5], $0x80, v1, vm0, $0xb8;
	[tilespmem:$0x2310] =	vst v63  }
0xad: {  	_ =	swait.ge [sflag:s25], $0x40  }
0xae: {  	[sflag:s25] =	ssyncset.done $0x0  }
0xaf: {  	s26 =	simm.s32 $0x3;
	[sflag:s25] =	ssyncadd.s32 $0xFFFFFFC0  }
0xb0: {  	s28 =	sand.u32 $0x1, s3;
	_ =	swait.ge [sflag:s26], $0x2000  }
0xb1: {  	s29 =	sshll.u32 s28, $0x6;
	s30 =	sand.u32 $0x3FFFFFF0, s5;
	[sflag:s26] =	ssyncset.done $0x0  }
0xb2: {  	s31 =	sand.u32 $0x30, s5;
	s6 =	sor.u32 $0x100, s29;
	[sflag:s26] =	ssyncadd.s32 $0xFFFFE000  }
0xb3: {  	s9 =	sadd.s32 s30, s6;
	v7 =	vld [tilespmem:s31+$0x80]  }
0xb4: {  	v9 =	vld [tilespmem:s9+$0x180]  }
0xb5: {  	v8 =	vld [tilespmem:s9+$0x0]  }
0xb6: {  	v5 =	vld [tilespmem:s9+$0x80]  }
0xb7: {  	s7 =	sand.u32 $0xF, s5;
	s8 =	sand.u32 $0xC, s5;
	v2 =	vimm.f32 $0.0e+00;
	v6 =	vld [tilespmem:s9+$0x100]  }
0xb8: {  	v3 =	vimm.f32 $0.0e+00;
	v4 =	vimm.f32 $0.0e+00;
	v1 =	vimm.f32 $0.0e+00;
	s5 =	simm.s32 $0x4;
	s6 =	sadd.s32 $0x200, s6;
	s9 =	sadd.s32 $0x3, s7  }
.LBB2_1:
0xb9: {  	s10 =	sand.u32 $0x3FFFFFF0, s5;
	s11 =	sand.u32 $0x30, s5;
	p0 =	slt.u32 s5, $0x3C;
	v10 =	vmov s8;
	v11 =	vmov s9;
	v12 =	vmul.f32 v9, v7  }
0xba: {  	s8 =	sadd.s32 $0x1, s7;
	s7 =	sadd.s32 $0x2, s7;
	s9 =	sadd.s32 s10, s6;
	v13 =	vld [tilespmem:s11+$0x80];
	vm0 =	veq.s32 v10, v0;
	v10 =	vmul.f32 v8, v7;
	vm1 =	veq.s32 v11, v0  }
.Ltmp0:
0xbb: {  	v11 =	vmov s8;
	v9 =	vld [tilespmem:s9+$0x180];
	v14 =	vmul.f32 v5, v7;
	v5 =	vnsel vm1, $0x0, v12;
	(pc) =	sbr.rel @p0 .LBB2_1-.Ltmp0, $4  }
0xbc: {  	v12 =	vmov s7;
	v8 =	vld [tilespmem:s9+$0x0];
	v15 =	vmul.f32 v6, v7;
	v1 =	vadd.f32 v5, v1  }
0xbd: {  	v10 =	vnsel vm0, $0x0, v10;
	vm0 =	veq.s32 v11, v0;
	vm1 =	veq.s32 v12, v0;
	v5 =	vld [tilespmem:s9+$0x80]  }
0xbe: {  	s8 =	sand.u32 $0xC, s5;
	s7 =	sand.u32 $0xF, s5;
	v4 =	vadd.f32 v10, v4;
	v10 =	vnsel vm0, $0x0, v14;
	v6 =	vld [tilespmem:s9+$0x100];
	v11 =	vnsel vm1, $0x0, v15  }
0xbf: {  	s6 =	sadd.s32 $0x200, s6;
	s5 =	sadd.s32 $0x4, s5;
	s9 =	sadd.s32 $0x3, s7;
	v2 =	vadd.f32 v10, v2;
	v3 =	vadd.f32 v11, v3;
	v7 =	vmov v13  }
0xc0: {  	v10 =	vmov s8;
	v11 =	vmov s9;
	v9 =	vmul.f32 v9, v7  }
0xc1: {  	s5 =	sadd.s32 $0x1, s7;
	s6 =	sadd.s32 $0x2, s7;
	vm0 =	veq.s32 v10, v0;
	v8 =	vmul.f32 v8, v7;
	vm1 =	veq.s32 v11, v0  }
0xc2: {  	v58 =	vmov s5;
	v59 =	vmov s6;
	v5 =	vmul.f32 v5, v7  }
0xc3: {  	v9 =	vnsel vm1, $0x0, v9;
	vm14 =	veq.s32 v58, v0;
	v6 =	vmul.f32 v6, v7  }
0xc4: {  	vm15 =	veq.s32 v59, v0;
	v1 =	vadd.f32 v9, v1;
	v60 =	vnsel vm0, $0x0, v8  }
0xc5: {  	v61 =	vadd.f32 v60, v4;
	v62 =	vnsel vm14, $0x0, v5;
	v63 =	vnsel vm15, $0x0, v6  }
0xc6: {  	v2 =	vadd.f32 v62, v2;
	v3 =	vadd.f32 v63, v3;
	_ =	sdelay $0x1  }
0xc7: {  	v0 =	vadd.f32 v2, v61;
	v1 =	vadd.f32 v1, v3;
	_ =	sdelay $0x1  }
0xc8: {  	v0 =	vadd.f32 v1, v0  }
0xc9: {  	s4 =	sshrl.u32 s4, $0x2  }
0xca: {  	s31 =	simm.s32 $0x2100;
	s4 =	sadd.s32 s4, s2;
	[tilespmem:$0x2100] =	vst v0  }
0xcb: {  	[spmem:s4] =	stream.linear.scatter [tilespmem:s31], [sflag:$0x4], $0x10, $0x38;
	[tilespmem:$0x2310] =	vst v63  }
0xcc: {  	s4 =	simm.s32 $0x4  }
0xcd: {  	_ =	swait.ge [sflag:s4], $0x10  }
0xce: {  	[sflag:s4] =	ssyncset.done $0x0  }
0xcf: {  	[sflag:s4] =	ssyncadd.s32 $0xFFFFFFF0  }
0xd0: {  	p0 =	sne.s32 s3, $0x0;
	[bflag:$0x0] =	sbarrier.arrive $0xFFFF  }
0xd1: {  	_ =	sfence.sel @p0 $0x180000  }
0xd2: {  	[bflag:$0x0] =	sbarrier.arrive @p0 $0xFFFF  }
0xd3: {  	_ =	strace @p0 $0x90000047  }
0xd4: {  	[bflag:$0x2] =	sbarrier.arrive @p0 $0xFFFF  }
0xd5: {  	_ =	shalt @p0  }
.LBB2_3:
0xd6: {  	s3 =	simm.s32 $0x2180  }
0xd7: {  	[tilespmem:s3], [sflag:$0x4] =	stream.linear.gather [spmem:s2], $0x100, $0x38;
	[tilespmem:$0x2310] =	vst v63  }
0xd8: {  	_ =	swait.ge [sflag:s4], $0x100  }
0xd9: {  	[sflag:s4] =	ssyncset.done $0x0  }
0xda: {  	[sflag:s4] =	ssyncadd.s32 $0xFFFFFF00  }
0xdb: {  	v0 =	vld [tilespmem:$0x2180];
	_ =	sdelay $0x1  }
0xdc: {  	v1 =	vld [tilespmem:$0x2190];
	_ =	sdelay $0x1  }
0xdd: {  	v2 =	vld [tilespmem:$0x21A0]  }
0xde: {  	v0 =	vadd.f32 $0.0e+00, v0  }
0xdf: {  	v3 =	vld [tilespmem:$0x21B0]  }
0xe0: {  	v0 =	vadd.f32 v1, v0  }
0xe1: {  	v51 =	vld [tilespmem:$0x21C0]  }
0xe2: {  	v0 =	vadd.f32 v2, v0  }
0xe3: {  	v52 =	vld [tilespmem:$0x21D0]  }
0xe4: {  	v0 =	vadd.f32 v3, v0  }
0xe5: {  	v53 =	vld [tilespmem:$0x21E0]  }
0xe6: {  	v0 =	vadd.f32 v51, v0  }
0xe7: {  	v54 =	vld [tilespmem:$0x21F0]  }
0xe8: {  	v0 =	vadd.f32 v52, v0  }
0xe9: {  	v55 =	vld [tilespmem:$0x2200]  }
0xea: {  	v0 =	vadd.f32 v53, v0  }
0xeb: {  	v56 =	vld [tilespmem:$0x2210]  }
0xec: {  	v0 =	vadd.f32 v54, v0  }
0xed: {  	v57 =	vld [tilespmem:$0x2220]  }
0xee: {  	v0 =	vadd.f32 v55, v0  }
0xef: {  	v58 =	vld [tilespmem:$0x2230]  }
0xf0: {  	v0 =	vadd.f32 v56, v0  }
0xf1: {  	v59 =	vld [tilespmem:$0x2240]  }
0xf2: {  	v0 =	vadd.f32 v57, v0  }
0xf3: {  	v60 =	vld [tilespmem:$0x2250]  }
0xf4: {  	v0 =	vadd.f32 v58, v0  }
0xf5: {  	v61 =	vld [tilespmem:$0x2260]  }
0xf6: {  	v0 =	vadd.f32 v59, v0  }
0xf7: {  	v62 =	vld [tilespmem:$0x2270]  }
0xf8: {  	v0 =	vadd.f32 v60, v0;
	_ =	sdelay $0x1  }
0xf9: {  	v0 =	vadd.f32 v61, v0;
	_ =	sdelay $0x1  }
0xfa: {  	v0 =	vadd.f32 v62, v0;
	_ =	sdelay $0x1  }
0xfb: {  	(v2sf) =	vpush v0, $0x0  }
0xfc: {  	(v2sf) =	vpush v0, $0x1;
	_ =	sdelay $0x1  }
0xfd: {  	(v2sf) =	vpush v0, $0x2;
	_ =	sdelay $0x1  }
0xfe: {  	(v2sf) =	vpush v0, $0x3;
	_ =	sdelay $0x1  }
0xff: {  	(v2sf) =	vpush v0, $0x4;
	_ =	sdelay $0x1  }
0x100: {  	(v2sf) =	vpush v0, $0x5;
	_ =	sdelay $0x1  }
0x101: {  	(v2sf) =	vpush v0, $0x6;
	_ =	sdelay $0x1  }
0x102: {  	(v2sf) =	vpush v0, $0x7;
	_ =	sdelay $0x1  }
0x103: {  	s13 =	spop (v2sf);
	(v2sf) =	vpush v0, $0x8  }
0x104: {  	s14 =	spop (v2sf)  }
0x105: {  	(v2sf) =	vpush v0, $0x9;
	s2 =	sadd.f32 s14, s13  }
0x106: {  	s15 =	spop (v2sf)  }
0x107: {  	(v2sf) =	vpush v0, $0xA;
	s2 =	sadd.f32 s2, s15  }
0x108: {  	s16 =	spop (v2sf)  }
0x109: {  	(v2sf) =	vpush v0, $0xB;
	s2 =	sadd.f32 s2, s16  }
0x10a: {  	s17 =	spop (v2sf)  }
0x10b: {  	(v2sf) =	vpush v0, $0xC;
	s2 =	sadd.f32 s2, s17  }
0x10c: {  	s18 =	spop (v2sf)  }
0x10d: {  	(v2sf) =	vpush v0, $0xD;
	s2 =	sadd.f32 s2, s18  }
0x10e: {  	s19 =	spop (v2sf)  }
0x10f: {  	(v2sf) =	vpush v0, $0xE;
	s2 =	sadd.f32 s2, s19  }
0x110: {  	s20 =	spop (v2sf)  }
0x111: {  	(v2sf) =	vpush v0, $0xF;
	s2 =	sadd.f32 s2, s20  }
0x112: {  	s21 =	spop (v2sf)  }
0x113: {  	s2 =	sadd.f32 s2, s21  }
0x114: {  	s22 =	spop (v2sf)  }
0x115: {  	s2 =	sadd.f32 s2, s22  }
0x116: {  	s23 =	spop (v2sf)  }
0x117: {  	s2 =	sadd.f32 s2, s23  }
0x118: {  	s24 =	spop (v2sf)  }
0x119: {  	s2 =	sadd.f32 s2, s24  }
0x11a: {  	s25 =	spop (v2sf)  }
0x11b: {  	s2 =	sadd.f32 s2, s25  }
0x11c: {  	s26 =	spop (v2sf)  }
0x11d: {  	s2 =	sadd.f32 s2, s26  }
0x11e: {  	s28 =	spop (v2sf)  }
0x11f: {  	s2 =	sadd.f32 s2, s28  }
0x120: {  	s29 =	spop (v2sf)  }
0x121: {  	s2 =	sadd.f32 s2, s29;
	_ =	sdelay $0x1  }
0x122: {  	s2 =	ssub.f32 $0.0e+00, s2;
	_ =	sdelay $0x1  }
0x123: {  	v63 =	vmov s2  }
0x124: {  	s30 =	simm.s32 $0x0;
	s31 =	simm.s32 $0x2280;
	[tilespmem:$0x2280] =	vst v63  }
0x125: {  	[hbm4b:s1+s30] =	stream.linear.scatter [tilespmem:s31], [sflag:$0x4], $0x80, $0x38;
	[tilespmem:$0x2310] =	vst v63  }
0x126: {  	_ =	swait.ge [sflag:s4], $0x80  }
0x127: {  	[sflag:s4] =	ssyncset.done $0x0  }
0x128: {  	[sflag:s4] =	ssyncadd.s32 $0xFFFFFF80  }
0x129: {  	_ =	sfence.sel $0x180000  }
0x12a: {  	[bflag:$0x0] =	sbarrier.arrive $0xFFFF  }
0x12b: {  	_ =	strace $0x90000047  }
0x12c: {  	s0 =	sadd.s32 $0x100000, s0;
	[bflag:$0x2] =	sbarrier.arrive $0xFFFF  }
0x12d: {  	[sflag:s0] =	ssyncadd.tile.s32 $0x1;
	_ =	shalt  }
.Lfunc_end2:
_tile_overlayer_lowered:
.L_overlay_start_2:
0x12e: {  	(tag) =	ssettag $0x2  }
0x12f: {  	s0 =	rddreg [dreg:$0x0];
	s2 =	stileid.u32  }
0x130: {  	s1 =	rddreg [dreg:$0x1];
	p0 =	sne.s32 s2, $0x0  }
0x131: {  	s3 =	rddreg [dreg:$0x2];
	[bflag:$0x3] =	sbarrier.arrive $0xFFFF;
	s2 =	simm.s32 @!p0 $0x1C04  }
0x132: {  	[timem:s3], [sflag:s2] =	dma.local @!p0 [hbm:s0], s1  }
0x133: {  	s0 =	simm.s32 @!p0 $0x4  }
0x134: {  	_ =	swait.ge @!p0 [sflag:s0], s1  }
0x135: {  	s1 =	ssub.s32 @!p0 $0x0, s1;
	[sflag:s0] =	ssyncset.done @!p0 $0x0  }
0x136: {  	[sflag:s0] =	ssyncadd.s32 @!p0 s1  }
0x137: {  	[bflag:$0x3] =	sbarrier.arrive $0xFFFF  }
0x138: {  	_ =	shalt  }

</sc_bundles>
